<compile_context>
chip_gen: v7x
topology: tpu7x:2x2x1
jax: 0.10.2.dev20260603
libtpu: 0.0.44.dev20260713+nightly
codegen_flags: <defaults>
</compile_context>

<pallas_src>
import functools

import jax
import jax.numpy as jnp
from jax import lax
from jax.experimental import pallas as pl
from jax.experimental.pallas import tpu as pltpu
from jax.experimental.pallas import tpu_sc as plsc


def kernel(tm3Signal, tm2Signal, Mi1Para5Signal, tm1Para5Signal, tm1Para3Signal, Mi1Para3Signal):
    H, W = tm3Signal.shape[2], tm3Signal.shape[3]
    N = H * W
    a = tm3Signal.reshape(N)
    b = tm1Para3Signal.reshape(N)
    c = tm2Signal.reshape(N)
    d = Mi1Para3Signal.reshape(N)

    info = plsc.get_sparse_core_info()
    NC, NS, L = info.num_cores, info.num_subcores, info.num_lanes
    NW = NC * NS
    chunk = N // NW

    mesh = plsc.VectorSubcoreMesh(core_axis_name="c", subcore_axis_name="s")
    out_t = jax.ShapeDtypeStruct((N,), jnp.float32)

    @functools.partial(
        pl.kernel,
        mesh=mesh,
        out_type=(out_t, out_t),
        scratch_types=[
            pltpu.VMEM((chunk,), jnp.float32),
            pltpu.VMEM((chunk,), jnp.float32),
            pltpu.VMEM((chunk,), jnp.float32),
        ],
    )
    def lobula_sc(a_hbm, b_hbm, c_hbm, d_hbm, on_hbm, off_hbm, x_v, y_v, z_v):
        wid = lax.axis_index("s") * NC + lax.axis_index("c")
        base = wid * chunk

        def mul_all():
            @plsc.parallel_loop(0, chunk, step=L, unroll=8)
            def _body(i):
                sl = pl.ds(i, L)
                z_v[sl] = x_v[sl] * y_v[sl]

        pltpu.sync_copy(a_hbm.at[pl.ds(base, chunk)], x_v)
        pltpu.sync_copy(b_hbm.at[pl.ds(base, chunk)], y_v)
        mul_all()
        pltpu.sync_copy(z_v, on_hbm.at[pl.ds(base, chunk)])

        pltpu.sync_copy(c_hbm.at[pl.ds(base, chunk)], x_v)
        pltpu.sync_copy(d_hbm.at[pl.ds(base, chunk)], y_v)
        mul_all()
        pltpu.sync_copy(z_v, off_hbm.at[pl.ds(base, chunk)])

    on1d, off1d = lobula_sc(a, b, c, d)
    return (on1d.reshape(1, 1, H, W), off1d.reshape(1, 1, H, W))

# --- scband reference (transcript-rebuilt; emitter-appended) ---
"""Pipeline reference for scband-lobula-15393162789119 (READ-ONLY COPY).

The authoritative reference and input builder live on the scoring server;
editing this copy changes nothing except your own understanding.
"""

import jax, jax.numpy as jnp
import numpy as np

LEN_CELL = 10
K = 0.5
# self.n = 3 -> weight['tau3'] = [1,0,0,0,0,0,0,0,0,0]
WEIGHT_TAU3 = jnp.array([1, 0, 0, 0, 0, 0, 0, 0, 0, 0], dtype=jnp.float32).reshape(1, -1, 1, 1)


def setup_inputs(seed: int = 0) -> dict:
    key = jax.random.key(seed)
    names = ["tm3Signal", "tm2Signal", "Mi1Para5Signal", "tm1Para5Signal", "tm1Para3Signal", "Mi1Para3Signal"]
    ks = jax.random.split(key, len(names))
    H, W = 512, 512
    return {n: jax.random.normal(k, (1, 1, H, W), dtype=jnp.float32) for n, k in zip(names, ks)}


def reference(tm3Signal, tm2Signal, Mi1Para5Signal, tm1Para5Signal, tm1Para3Signal, Mi1Para3Signal):
    H, W = tm3Signal.shape[2], tm3Signal.shape[3]
    # create_flag False path: internal LPTC cell states initialized to zeros
    cell_lptc_on = jnp.zeros((1, LEN_CELL, H, W), dtype=jnp.float32)
    cell_lptc_off = jnp.zeros((1, LEN_CELL, H, W), dtype=jnp.float32)
    # feedback = sum over cell dimension weighted by tau kernel
    feedback_on = jnp.sum(cell_lptc_on * WEIGHT_TAU3, axis=1, keepdims=True)
    feedback_off = jnp.sum(cell_lptc_off * WEIGHT_TAU3, axis=1, keepdims=True)
    LPTC_on = (tm3Signal + K * feedback_on) * (tm1Para3Signal + K * feedback_on)
    LPTC_off = (tm2Signal + K * feedback_off) * (Mi1Para3Signal + K * feedback_off)
    return (LPTC_on, LPTC_off)

if __name__ == "__main__":
    import jax
    _d = setup_inputs()
    print(jax.jit(kernel)(*tuple(_d.values())))

</pallas_src>

<mosaic_0001>
#map = affine_map<(d0, d1) -> (0)>
module attributes {stable_mosaic.version = 14 : i64} {
  func.func @lobula_sc(%arg0: i32, %arg1: i32, %arg2: memref<262144xf32, #tpu.memory_space<hbm>>, %arg3: memref<262144xf32, #tpu.memory_space<hbm>>, %arg4: memref<262144xf32, #tpu.memory_space<hbm>>, %arg5: memref<262144xf32, #tpu.memory_space<hbm>>, %arg6: memref<262144xf32, #tpu.memory_space<hbm>>, %arg7: memref<262144xf32, #tpu.memory_space<hbm>>, %arg8: memref<8192xf32, #tpu.memory_space<vmem>>, %arg9: memref<8192xf32, #tpu.memory_space<vmem>>, %arg10: memref<8192xf32, #tpu.memory_space<vmem>>) attributes {dimension_semantics = [#tpu.dimension_semantics<core_parallel>, #tpu.dimension_semantics<subcore_parallel>], iteration_bounds = array<i64: 2, 16>, scalar_prefetch = 0 : i64, scratch_operands = 3 : i64, tpu.core_type = #tpu.core_type<sc_vector_subcore>, window_params = [{transform_indices = #map}, {transform_indices = #map}, {transform_indices = #map}, {transform_indices = #map}, {transform_indices = #map}, {transform_indices = #map}]} {
    %mul3A = arith.constant 2 : i32
    %mul3A_0 = arith.muli %arg1, %mul3A : i32
    %add3A = arith.addi %mul3A_0, %arg0 : i32
    %mul3A_1 = arith.constant 8192 : i32
    %mul3A_2 = arith.muli %add3A, %mul3A_1 : i32
    "tpu.region"() ({
      %run_scoped3A = tpu.sem_alloc : memref<!tpu.dma_semaphore, #tpu.memory_space<semaphore_mem>>
      %dma_start3A = tpu.memref_slice %arg2[%mul3A_2] : memref<262144xf32, #tpu.memory_space<hbm>> -> memref<8192xf32, #tpu.memory_space<hbm>>
      %dma_start3A_8 = tpu.memref_slice %arg2[%mul3A_2] : memref<262144xf32, #tpu.memory_space<hbm>> -> memref<8192xf32, #tpu.memory_space<hbm>>
      tpu.enqueue_dma source(%dma_start3A_8 : memref<8192xf32, #tpu.memory_space<hbm>>) target(%arg8 : memref<8192xf32, #tpu.memory_space<vmem>>) target_semaphore(%run_scoped3A : memref<!tpu.dma_semaphore, #tpu.memory_space<semaphore_mem>>)
      %dma_wait3A = tpu.memref_slice %arg2[%mul3A_2] : memref<262144xf32, #tpu.memory_space<hbm>> -> memref<8192xf32, #tpu.memory_space<hbm>>
      %dma_wait3A_9 = tpu.memref_slice %arg2[%mul3A_2] : memref<262144xf32, #tpu.memory_space<hbm>> -> memref<8192xf32, #tpu.memory_space<hbm>>
      tpu.wait_dma2 semaphore(%run_scoped3A : memref<!tpu.dma_semaphore, #tpu.memory_space<semaphore_mem>>) src(%dma_wait3A_9 : memref<8192xf32, #tpu.memory_space<hbm>>) dst(%arg8 : memref<8192xf32, #tpu.memory_space<vmem>>)
      tpu.yield
    }) : () -> ()
    "tpu.region"() ({
      %run_scoped3A = tpu.sem_alloc : memref<!tpu.dma_semaphore, #tpu.memory_space<semaphore_mem>>
      %dma_start3A = tpu.memref_slice %arg3[%mul3A_2] : memref<262144xf32, #tpu.memory_space<hbm>> -> memref<8192xf32, #tpu.memory_space<hbm>>
      %dma_start3A_8 = tpu.memref_slice %arg3[%mul3A_2] : memref<262144xf32, #tpu.memory_space<hbm>> -> memref<8192xf32, #tpu.memory_space<hbm>>
      tpu.enqueue_dma source(%dma_start3A_8 : memref<8192xf32, #tpu.memory_space<hbm>>) target(%arg9 : memref<8192xf32, #tpu.memory_space<vmem>>) target_semaphore(%run_scoped3A : memref<!tpu.dma_semaphore, #tpu.memory_space<semaphore_mem>>)
      %dma_wait3A = tpu.memref_slice %arg3[%mul3A_2] : memref<262144xf32, #tpu.memory_space<hbm>> -> memref<8192xf32, #tpu.memory_space<hbm>>
      %dma_wait3A_9 = tpu.memref_slice %arg3[%mul3A_2] : memref<262144xf32, #tpu.memory_space<hbm>> -> memref<8192xf32, #tpu.memory_space<hbm>>
      tpu.wait_dma2 semaphore(%run_scoped3A : memref<!tpu.dma_semaphore, #tpu.memory_space<semaphore_mem>>) src(%dma_wait3A_9 : memref<8192xf32, #tpu.memory_space<hbm>>) dst(%arg9 : memref<8192xf32, #tpu.memory_space<vmem>>)
      tpu.yield
    }) : () -> ()
    %parallel_loop3A = arith.constant 0 : i32
    %parallel_loop3A_3 = arith.constant 8192 : i32
    %parallel_loop3A_4 = arith.constant 16 : i32
    scf.for %parallel_loop3A_8 = %parallel_loop3A to %parallel_loop3A_3 step %parallel_loop3A_4  : i32 {
      %parallel_loop3A_9 = arith.index_cast %parallel_loop3A_8 : i32 to index
      %parallel_loop3A_10 = tpu.vector_load %arg8[%parallel_loop3A_9] {strides = array<i32>} : memref<8192xf32, #tpu.memory_space<vmem>>, vector<16xf32>,
      %parallel_loop3A_11 = vector.shape_cast %parallel_loop3A_10 : vector<16xf32> to vector<16xf32>
      %parallel_loop3A_12 = arith.index_cast %parallel_loop3A_8 : i32 to index
      %parallel_loop3A_13 = tpu.vector_load %arg9[%parallel_loop3A_12] {strides = array<i32>} : memref<8192xf32, #tpu.memory_space<vmem>>, vector<16xf32>,
      %parallel_loop3A_14 = vector.shape_cast %parallel_loop3A_13 : vector<16xf32> to vector<16xf32>
      %parallel_loop3A_15 = arith.mulf %parallel_loop3A_11, %parallel_loop3A_14 : vector<16xf32>
      %parallel_loop3A_16 = arith.index_cast %parallel_loop3A_8 : i32 to index
      %parallel_loop3A_17 = tpu.vector_load %arg10[%parallel_loop3A_16] {strides = array<i32>} : memref<8192xf32, #tpu.memory_space<vmem>>, vector<16xf32>,
      %parallel_loop3A_18 = vector.shape_cast %parallel_loop3A_17 : vector<16xf32> to vector<16xf32>
      %parallel_loop3A_19 = vector.shape_cast %parallel_loop3A_15 : vector<16xf32> to vector<16xf32>
      tpu.vector_store %arg10[%parallel_loop3A_16], %parallel_loop3A_19 {strides = array<i32>} : memref<8192xf32, #tpu.memory_space<vmem>>, vector<16xf32>,
    } {sc.loop_unroll_factor = 8 : i64, sc.parallel_access}
    "tpu.region"() ({
      %run_scoped3A = tpu.sem_alloc : memref<!tpu.dma_semaphore, #tpu.memory_space<semaphore_mem>>
      %dma_start3A = tpu.memref_slice %arg6[%mul3A_2] : memref<262144xf32, #tpu.memory_space<hbm>> -> memref<8192xf32, #tpu.memory_space<hbm>>
      %dma_start3A_8 = tpu.memref_slice %arg6[%mul3A_2] : memref<262144xf32, #tpu.memory_space<hbm>> -> memref<8192xf32, #tpu.memory_space<hbm>>
      tpu.enqueue_dma source(%arg10 : memref<8192xf32, #tpu.memory_space<vmem>>) target(%dma_start3A_8 : memref<8192xf32, #tpu.memory_space<hbm>>) target_semaphore(%run_scoped3A : memref<!tpu.dma_semaphore, #tpu.memory_space<semaphore_mem>>)
      %dma_wait3A = tpu.memref_slice %arg6[%mul3A_2] : memref<262144xf32, #tpu.memory_space<hbm>> -> memref<8192xf32, #tpu.memory_space<hbm>>
      %dma_wait3A_9 = tpu.memref_slice %arg6[%mul3A_2] : memref<262144xf32, #tpu.memory_space<hbm>> -> memref<8192xf32, #tpu.memory_space<hbm>>
      tpu.wait_dma2 semaphore(%run_scoped3A : memref<!tpu.dma_semaphore, #tpu.memory_space<semaphore_mem>>) src(%arg10 : memref<8192xf32, #tpu.memory_space<vmem>>) dst(%dma_wait3A_9 : memref<8192xf32, #tpu.memory_space<hbm>>)
      tpu.yield
    }) : () -> ()
    "tpu.region"() ({
      %run_scoped3A = tpu.sem_alloc : memref<!tpu.dma_semaphore, #tpu.memory_space<semaphore_mem>>
      %dma_start3A = tpu.memref_slice %arg4[%mul3A_2] : memref<262144xf32, #tpu.memory_space<hbm>> -> memref<8192xf32, #tpu.memory_space<hbm>>
      %dma_start3A_8 = tpu.memref_slice %arg4[%mul3A_2] : memref<262144xf32, #tpu.memory_space<hbm>> -> memref<8192xf32, #tpu.memory_space<hbm>>
      tpu.enqueue_dma source(%dma_start3A_8 : memref<8192xf32, #tpu.memory_space<hbm>>) target(%arg8 : memref<8192xf32, #tpu.memory_space<vmem>>) target_semaphore(%run_scoped3A : memref<!tpu.dma_semaphore, #tpu.memory_space<semaphore_mem>>)
      %dma_wait3A = tpu.memref_slice %arg4[%mul3A_2] : memref<262144xf32, #tpu.memory_space<hbm>> -> memref<8192xf32, #tpu.memory_space<hbm>>
      %dma_wait3A_9 = tpu.memref_slice %arg4[%mul3A_2] : memref<262144xf32, #tpu.memory_space<hbm>> -> memref<8192xf32, #tpu.memory_space<hbm>>
      tpu.wait_dma2 semaphore(%run_scoped3A : memref<!tpu.dma_semaphore, #tpu.memory_space<semaphore_mem>>) src(%dma_wait3A_9 : memref<8192xf32, #tpu.memory_space<hbm>>) dst(%arg8 : memref<8192xf32, #tpu.memory_space<vmem>>)
      tpu.yield
    }) : () -> ()
    "tpu.region"() ({
      %run_scoped3A = tpu.sem_alloc : memref<!tpu.dma_semaphore, #tpu.memory_space<semaphore_mem>>
      %dma_start3A = tpu.memref_slice %arg5[%mul3A_2] : memref<262144xf32, #tpu.memory_space<hbm>> -> memref<8192xf32, #tpu.memory_space<hbm>>
      %dma_start3A_8 = tpu.memref_slice %arg5[%mul3A_2] : memref<262144xf32, #tpu.memory_space<hbm>> -> memref<8192xf32, #tpu.memory_space<hbm>>
      tpu.enqueue_dma source(%dma_start3A_8 : memref<8192xf32, #tpu.memory_space<hbm>>) target(%arg9 : memref<8192xf32, #tpu.memory_space<vmem>>) target_semaphore(%run_scoped3A : memref<!tpu.dma_semaphore, #tpu.memory_space<semaphore_mem>>)
      %dma_wait3A = tpu.memref_slice %arg5[%mul3A_2] : memref<262144xf32, #tpu.memory_space<hbm>> -> memref<8192xf32, #tpu.memory_space<hbm>>
      %dma_wait3A_9 = tpu.memref_slice %arg5[%mul3A_2] : memref<262144xf32, #tpu.memory_space<hbm>> -> memref<8192xf32, #tpu.memory_space<hbm>>
      tpu.wait_dma2 semaphore(%run_scoped3A : memref<!tpu.dma_semaphore, #tpu.memory_space<semaphore_mem>>) src(%dma_wait3A_9 : memref<8192xf32, #tpu.memory_space<hbm>>) dst(%arg9 : memref<8192xf32, #tpu.memory_space<vmem>>)
      tpu.yield
    }) : () -> ()
    %parallel_loop3A_5 = arith.constant 0 : i32
    %parallel_loop3A_6 = arith.constant 8192 : i32
    %parallel_loop3A_7 = arith.constant 16 : i32
    scf.for %parallel_loop3A_8 = %parallel_loop3A_5 to %parallel_loop3A_6 step %parallel_loop3A_7  : i32 {
      %parallel_loop3A_9 = arith.index_cast %parallel_loop3A_8 : i32 to index
      %parallel_loop3A_10 = tpu.vector_load %arg8[%parallel_loop3A_9] {strides = array<i32>} : memref<8192xf32, #tpu.memory_space<vmem>>, vector<16xf32>,
      %parallel_loop3A_11 = vector.shape_cast %parallel_loop3A_10 : vector<16xf32> to vector<16xf32>
      %parallel_loop3A_12 = arith.index_cast %parallel_loop3A_8 : i32 to index
      %parallel_loop3A_13 = tpu.vector_load %arg9[%parallel_loop3A_12] {strides = array<i32>} : memref<8192xf32, #tpu.memory_space<vmem>>, vector<16xf32>,
      %parallel_loop3A_14 = vector.shape_cast %parallel_loop3A_13 : vector<16xf32> to vector<16xf32>
      %parallel_loop3A_15 = arith.mulf %parallel_loop3A_11, %parallel_loop3A_14 : vector<16xf32>
      %parallel_loop3A_16 = arith.index_cast %parallel_loop3A_8 : i32 to index
      %parallel_loop3A_17 = tpu.vector_load %arg10[%parallel_loop3A_16] {strides = array<i32>} : memref<8192xf32, #tpu.memory_space<vmem>>, vector<16xf32>,
      %parallel_loop3A_18 = vector.shape_cast %parallel_loop3A_17 : vector<16xf32> to vector<16xf32>
      %parallel_loop3A_19 = vector.shape_cast %parallel_loop3A_15 : vector<16xf32> to vector<16xf32>
      tpu.vector_store %arg10[%parallel_loop3A_16], %parallel_loop3A_19 {strides = array<i32>} : memref<8192xf32, #tpu.memory_space<vmem>>, vector<16xf32>,
    } {sc.loop_unroll_factor = 8 : i64, sc.parallel_access}
    "tpu.region"() ({
      %run_scoped3A = tpu.sem_alloc : memref<!tpu.dma_semaphore, #tpu.memory_space<semaphore_mem>>
      %dma_start3A = tpu.memref_slice %arg7[%mul3A_2] : memref<262144xf32, #tpu.memory_space<hbm>> -> memref<8192xf32, #tpu.memory_space<hbm>>
      %dma_start3A_8 = tpu.memref_slice %arg7[%mul3A_2] : memref<262144xf32, #tpu.memory_space<hbm>> -> memref<8192xf32, #tpu.memory_space<hbm>>
      tpu.enqueue_dma source(%arg10 : memref<8192xf32, #tpu.memory_space<vmem>>) target(%dma_start3A_8 : memref<8192xf32, #tpu.memory_space<hbm>>) target_semaphore(%run_scoped3A : memref<!tpu.dma_semaphore, #tpu.memory_space<semaphore_mem>>)
      %dma_wait3A = tpu.memref_slice %arg7[%mul3A_2] : memref<262144xf32, #tpu.memory_space<hbm>> -> memref<8192xf32, #tpu.memory_space<hbm>>
      %dma_wait3A_9 = tpu.memref_slice %arg7[%mul3A_2] : memref<262144xf32, #tpu.memory_space<hbm>> -> memref<8192xf32, #tpu.memory_space<hbm>>
      tpu.wait_dma2 semaphore(%run_scoped3A : memref<!tpu.dma_semaphore, #tpu.memory_space<semaphore_mem>>) src(%arg10 : memref<8192xf32, #tpu.memory_space<vmem>>) dst(%dma_wait3A_9 : memref<8192xf32, #tpu.memory_space<hbm>>)
      tpu.yield
    }) : () -> ()
    return
  }
}

</mosaic_0001>

<sc_bundles>
// kernel: kernel.3.cloned.1.call-start
scs
__scs_entry_jumppad:
0x0: {  	(pc) =	sbr.rel $0x88, $3  }
0x1: {  	(tag) =	ssettag $0x0;
	lr =	simm.s32 $0x1  }
0x2: {  	[smem:$0x3F9D] =	sst lr;
	_ =	strace $0xD0000000  }
0x3: {  	_ = 	snop  }
0x4: {  	_ = 	snop  }
0x5: {  	_ = 	snop  }
0x6: {  	_ = 	snop  }
0x7: {  	_ = 	snop  }
__scs_overlays_trampoline_lowered:
0x8: {  	[smem:$0x3FAC] =	sst s0  }
0x9: {  	[smem:$0x3FAD] =	sst s1  }
0xa: {  	[smem:$0x3FAE] =	sst s2  }
0xb: {  	[smem:$0x3FAF] =	sst s3  }
0xc: {  	[smem:$0x3FB0] =	sst s4  }
0xd: {  	[smem:$0x3FB1] =	sst s5  }
0xe: {  	[smem:$0x3FB2] =	sst s6  }
0xf: {  	[smem:$0x3FB3] =	sst s7  }
0x10: {  	[smem:$0x3FB4] =	sst s8  }
0x11: {  	[smem:$0x3FB5] =	sst s9;
	s0 =	simm.s32 @!p0 $0x0  }
0x12: {  	s1 =	sld [smem:$0x3F9B];
	s0 =	simm.s32 @p0 $0x1  }
0x13: {  	[smem:$0x3FB6] =	sst s0;
	s0 =	simm.s32 @!p1 $0x0  }
0x14: {  	s2 =	sld [smem:$0x3F9A];
	s0 =	simm.s32 @p1 $0x1  }
0x15: {  	[smem:$0x3FB7] =	sst s0;
	s0 =	simm.s32 @!p2 $0x0  }
0x16: {  	s3 =	sld [smem:$0x3FDB];
	s0 =	simm.s32 @p2 $0x1  }
0x17: {  	s4 =	simm.s32 $0x1BF5;
	[smem:$0x3FB9] =	sst s0  }
0x18: {  	s0 =	sld [smem:$0x3F9C];
	_ =	swait.ge [sflag:s4], $0x0  }
0x19: {  	s7 =	sld [smem:$0x3F9D]  }
0x1a: {  	s8 =	sadd.s32 $0xFFFFE003, lr  }
0x1b: {  	s9 =	sadd.s32 $0xFFFFFEF7, lr;
	s5 =	simm.s32 $0xFFFFFFFF;
	p2 =	slt.u32 s8, $0xFFFFF086  }
0x1c: {  	p1 =	slt.u32 s9, $0xF7A;
	s5 =	simm.s32 @!p2 $0x0  }
0x1d: {  	s5 =	simm.s32 @p1 $0x1;
	p0 =	seq.s32 s7, s2  }
0x1e: {  	s7 =	smul.u32 @!p0 $0xF7A, s2;
	p2 =	seq.s32 @!p0 s5, $0x0  }
0x1f: {  	s9 =	smul.u32 $0xF7A, s1;
	s8 =	simm.s32 @!p0 $0x1BF5;
	p2 =	por !p2, p0  }
0x20: {  	[sflag:s8] =	ssyncset.s32 @!p0 $0xFFFFF086;
	s6 =	sadd.s32 @!p0 s3, s7;
	s7 =	simm.s32 @!p0 $0x108  }
0x21: {  	s3 =	sadd.s32 s3, s9;
	s6 =	sadd.s32 @!p0 $0x88, s6;
	s7 =	simm.s32 @p2 $0x1082  }
0x22: {  	[simem:s7], [sflag:s8] =	dma.local @!p0 [hbm:s6], $0xF7A  }
0x23: {  	s9 =	sor.u32 $0xD0000000, s2;
	s6 =	simm.s32 $0x108;
	_ =	swait.ge @!p0 [sflag:s8], $0x0  }
0x24: {  	s3 =	sadd.s32 $0x88, s3;
	s6 =	simm.s32 @!p1 $0x1082;
	[sflag:s4] =	ssyncset.s32 $0xFFFFF086  }
0x25: {  	[simem:s6], [sflag:s4] =	dma.local [hbm:s3], $0xF7A  }
0x26: {  	[smem:$0x3F9D] =	sst s1;
	(tag) =	ssettag s2;
	_ =	strace s9  }
0x27: {  	s1 =	sld [smem:$0x3FAD]  }
0x28: {  	s2 =	sld [smem:$0x3FAE]  }
0x29: {  	s4 =	sld [smem:$0x3FB0]  }
0x2a: {  	p0 =	seq.s32 s5, $0x0;
	s5 =	sld [smem:$0x3FB1]  }
0x2b: {  	s6 =	sld [smem:$0x3FB2]  }
0x2c: {  	s7 =	sld [smem:$0x3FB3]  }
0x2d: {  	s3 =	simm.s32 $0x108;
	s8 =	sld [smem:$0x3FB4]  }
0x2e: {  	s3 =	simm.s32 @!p0 $0x1082;
	s9 =	sld [smem:$0x3FB5]  }
0x2f: {  	lr =	sadd.s32 s0, s3;
	s0 =	sld [smem:$0x3FAC]  }
0x30: {  	s3 =	sld [smem:$0x3FAF]  }
0x31: {  	[smem:$0x3FB8] =	sst s10  }
0x32: {  	s10 =	sld [smem:$0x3FB6];
	_ =	sdelay $0x3  }
0x33: {  	p0 =	seq.s32 s10, $0x1;
	s10 =	sld [smem:$0x3FB8];
	_ =	sdelay $0x3  }
0x34: {  	[smem:$0x3FB8] =	sst s10  }
0x35: {  	s10 =	sld [smem:$0x3FB7];
	_ =	sdelay $0x3  }
0x36: {  	p1 =	seq.s32 s10, $0x1;
	s10 =	sld [smem:$0x3FB8];
	_ =	sdelay $0x3  }
0x37: {  	[smem:$0x3FB8] =	sst s10  }
0x38: {  	s10 =	sld [smem:$0x3FB9]  }
0x39: {  	_ = 	snop;
	(pc) =	sbr.ind lr, $3  }
0x3a: {  	_ = 	snop  }
0x3b: {  	_ = 	snop  }
0x3c: {  	p2 =	seq.s32 s10, $0x1;
	s10 =	sld [smem:$0x3FB8]  }
0x3d: {  	_ =	shalt  }
0x3e: {  	_ =	shalt  }
0x3f: {  	_ =	shalt  }
0x40: {  	_ =	shalt  }
0x41: {  	_ =	shalt  }
0x42: {  	_ =	shalt  }
0x43: {  	_ =	shalt  }
0x44: {  	_ =	shalt  }
0x45: {  	_ =	shalt  }
0x46: {  	_ =	shalt  }
0x47: {  	_ =	shalt  }
0x48: {  	_ =	shalt  }
0x49: {  	_ =	shalt  }
0x4a: {  	_ =	shalt  }
0x4b: {  	_ =	shalt  }
0x4c: {  	_ =	shalt  }
0x4d: {  	_ =	shalt  }
0x4e: {  	_ =	shalt  }
0x4f: {  	_ =	shalt  }
0x50: {  	_ =	shalt  }
0x51: {  	_ =	shalt  }
0x52: {  	_ =	shalt  }
0x53: {  	_ =	shalt  }
0x54: {  	_ =	shalt  }
0x55: {  	_ =	shalt  }
0x56: {  	_ =	shalt  }
0x57: {  	_ =	shalt  }
0x58: {  	_ =	shalt  }
0x59: {  	_ =	shalt  }
0x5a: {  	_ =	shalt  }
0x5b: {  	_ =	shalt  }
0x5c: {  	_ =	shalt  }
0x5d: {  	_ =	shalt  }
0x5e: {  	_ =	shalt  }
0x5f: {  	_ =	shalt  }
0x60: {  	_ =	shalt  }
0x61: {  	_ =	shalt  }
0x62: {  	_ =	shalt  }
0x63: {  	_ =	shalt  }
0x64: {  	_ =	shalt  }
0x65: {  	_ =	shalt  }
0x66: {  	_ =	shalt  }
0x67: {  	_ =	shalt  }
0x68: {  	_ =	shalt  }
0x69: {  	_ =	shalt  }
0x6a: {  	_ =	shalt  }
0x6b: {  	_ =	shalt  }
0x6c: {  	_ =	shalt  }
0x6d: {  	_ =	shalt  }
0x6e: {  	_ =	shalt  }
0x6f: {  	_ =	shalt  }
0x70: {  	_ =	shalt  }
0x71: {  	_ =	shalt  }
0x72: {  	_ =	shalt  }
0x73: {  	_ =	shalt  }
0x74: {  	_ =	shalt  }
0x75: {  	_ =	shalt  }
0x76: {  	_ =	shalt  }
0x77: {  	_ =	shalt  }
0x78: {  	_ =	shalt  }
0x79: {  	_ =	shalt  }
0x7a: {  	_ =	shalt  }
0x7b: {  	_ =	shalt  }
0x7c: {  	_ =	shalt  }
0x7d: {  	_ =	shalt  }
0x7e: {  	_ =	shalt  }
0x7f: {  	_ =	shalt  }
0x80: {  	_ =	shalt  }
0x81: {  	_ =	shalt  }
0x82: {  	_ =	shalt  }
0x83: {  	_ =	shalt  }
0x84: {  	_ =	shalt  }
0x85: {  	_ =	shalt  }
0x86: {  	_ =	shalt  }
0x87: {  	_ =	shalt  }
.Lfunc_end0:
.L_simem_size_0:
called_computation_lowered:
.L_overlay_start_0:
0x88: {  	s2 =	sld [smem:$0x3FD9]  }
0x89: {  	s3 =	sld [smem:$0x3FFE];
	_ =	sdelay $0x1  }
0x8a: {  	s1 =	srdreg.scid  }
0x8b: {  	s0 =	sand.u32 $0x1, s1  }
0x8c: {  	s14 =	sshll.u32 s0, $0xA;
	s2 =	sadd.s32 s3, s2  }
0x8d: {  	s2 =	sadd.s32 s2, s14  }
0x8e: {  	[smem:$0x3FC4] =	sst s2  }
0x8f: {  	_ = 	snop  }
0x90: {  	s2 =	sld [smem:$0x3FD0];
	_ =	sdelay $0x2  }
0x91: {  	s15 =	simm.s32 $0xA;
	s4 =	simm.s32 $0x10  }
0x92: {  	[smem:s4], [sflag:s15] =	dma.local [hbm:s2], $0x1  }
0x93: {  	_ =	swait.eq [sflag:s15], $0x1  }
0x94: {  	[sflag:s15] =	ssyncset.done $0x0  }
0x95: {  	s16 =	sld [smem:$0x10];
	[sflag:s15] =	ssyncadd.s32 $0xFFFFFFFF  }
0x96: {  	s17 =	sld [smem:$0x11];
	(tm) =	ssettm $0x1  }
0x97: {  	s18 =	sld [smem:$0x3FFB];
	_ =	sdelay $0x3  }
0x98: {  	_ =	strace s18  }
0x99: {  	s4 =	sld [smem:$0x3FFC];
	_ =	sdelay $0x3  }
0x9a: {  	_ =	strace s4  }
0x9b: {  	s4 =	sld [smem:$0x3FFD];
	_ =	sdelay $0x3  }
0x9c: {  	_ =	strace s4  }
0x9d: {  	_ =	strace $0x8FFFFFFF  }
0x9e: {  	s19 =	sld [smem:$0x3FDB];
	_ =	sdelay $0x1  }
0x9f: {  	s5 =	simm.s32 $_scs_section_size  }
0xa0: {  	s6 =	simm.s32 $_size__tile_overlayer_lowered;
	s7 =	simm.s32 $_tile_overlayer_lowered  }
0xa1: {  	s22 =	simm.s32 $0x1BFF;
	s21 =	sshll.u32 s7, $0x1;
	s4 =	sadd.s32 s5, s19  }
0xa2: {  	s8 =	simm.s32 $0x0;
	s20 =	sshll.u32 s6, $0x1;
	s6 =	sadd.s32 s21, s4  }
0xa3: {  	[timem:s8], [sflag:s22] =	dma.local [hbm:s6], s20  }
0xa4: {  	_ =	swait.ge [sflag:s22], s20  }
0xa5: {  	s5 =	ssub.s32 $0x0, s20;
	[sflag:s22] =	ssyncset.done $0x0  }
0xa6: {  	[sflag:s22] =	ssyncadd.s32 s5;
	_ =	sdelay $0x1  }
0xa7: {  	s23 =	simm.s32 $0x1B8B  }
0xa8: {  	_ =	swait.ge [sflag:s23], $0x1  }
0xa9: {  	[sflag:s23] =	ssyncset.done $0x0  }
0xaa: {  	s25 =	simm.s32 $0x1B8E;
	s24 =	sld [smem:$0x3FFE];
	[sflag:s23] =	ssyncadd.s32 $0xFFFFFFFF  }
0xab: {  	s26 =	simm.s32 $execute0_lowered;
	[smem:$0x3FD2] =	sst s25  }
0xac: {  	s6 =	sshll.u32 s26, $0x1;
	_ =	strace $0x80000046;
	[dreg:$0x1] =	wrdreg $0xFFFFFFFF  }
0xad: {  	s28 =	simm.s32 $_size_execute0_lowered;
	s4 =	sadd.s32 s4, s6;
	[dreg:$0x0] =	wrdreg $0x0  }
0xae: {  	s6 =	sshll.u32 s28, $0x1;
	[dreg:$0x2] =	wrdreg s4  }
0xaf: {  	[dreg:$0x3] =	wrdreg s6  }
0xb0: {  	[dreg:$0x4] =	wrdreg $0xC0  }
0xb1: {  	_ =	task [dreg:s8], $0x5FFFF  }
0xb2: {  	[dreg:$0x1] =	wrdreg $0xFFFFFFFF  }
0xb3: {  	[dreg:$0x0] =	wrdreg $0x60  }
0xb4: {  	[dreg:$0x2] =	wrdreg s17  }
0xb5: {  	[dreg:$0x3] =	wrdreg s16  }
0xb6: {  	[dreg:$0x4] =	wrdreg s24  }
0xb7: {  	[dreg:$0x5] =	wrdreg $0x9  }
0xb8: {  	_ =	task.clear_ibuf [dreg:s8], $0x6FFFF;
	_ =	strace $0x90000046  }
0xb9: {  	s29 =	simm.s32 $0x9;
	_ =	strace $0x80000048  }
0xba: {  	_ =	swait.ge [sflag:s29], $0x1  }
0xbb: {  	[sflag:s29] =	ssyncadd.s32 $0xFFFFFFFF  }
0xbc: {  	_ =	strace $0x90000048  }
0xbd: {  	_ =	sfence  }
0xbe: {  	s30 =	sld [smem:$0x0];
	_ =	sdelay $0x2  }
0xbf: {  	s31 =	sshll.u32 s1, $0xD;
	s1 =	sshrl.u32 s1, $0x2  }
0xc0: {  	s3 =	sand.u32 $0x4000, s31;
	s1 =	sadd.s32 s1, s30  }
0xc1: {  	s0 =	sor.u32 s3, s0;
	s1 =	sshll.u32 s1, $0x11  }
0xc2: {  	s0 =	sor.u32 s1, s0  }
0xc3: {  	s0 =	sadd.s32 $0x8F2B, s0  }
0xc4: {  	[sflag:s0] =	ssyncadd.remote.s32 $0x1  }
0xc5: {  	_ =	sfence.sel $0xFFFF  }
0xc6: {  	[dreg:$0x0] =	wrdreg $0xFFFFFFFF;
	(pc) =	sbr.abs _section_cstart, $3  }
0xc7: {  	[dreg:$0x1] =	wrdreg $0xFFFFFFFF  }
0xc8: {  	_ =	task.clear_ibuf [dreg:s8], $0x2FFFF;
	_ =	strace $0x9FFFFFFF  }
0xc9: {  	(tm) =	ssettm $0x7FFFFFFF  }
tec
execute0_lowered:
.L_overlay_start_1:
0x0: {  	(tag) =	ssettag $0x1  }
0x1: {  	s3 =	rddreg [dreg:$0x0]  }
0x2: {  	s4 =	rddreg [dreg:$0x1]  }
0x3: {  	s5 =	rddreg [dreg:$0x2];
	s2 =	srdreg.scid  }
0x4: {  	s0 =	rddreg [dreg:$0x3];
	s1 =	stileid.u32;
	s10 =	simm.s32 $0x1  }
0x5: {  	s11 =	simm.s32 $0x2000;
	s12 =	simm.s32 $0x4000;
	s13 =	simm.s32 $0x0  }
0x6: {  	s6 =	sand.u32 $0x1, s2;
	s2 =	simm.s32 $0x0;
	s7 =	sshll.u32 s1, $0xB  }
0x7: {  	s8 =	sshll.u32 s6, $0xA;
	[smem:$0x7FF] =	sst s2;
	s6 =	ssub.s32 $0x2, s6  }
0x8: {  	s7 =	sor.u32 s8, s7;
	_ =	strace $0x80000047;
	s31 =	sshrl.u32 s6, $0x1  }
0x9: {  	s8 =	sadd.s32 s7, s5;
	s9 =	ssub.s32 s6, s31;
	s3 =	sadd.s32 s3, s7  }
0xa: {  	s4 =	sadd.s32 s4, s7;
	s5 =	sadd.s32 $0x11000, s8;
	s6 =	sadd.s32 $0x1000, s8  }
0xb: {  	s7 =	sadd.s32 $0x9000, s8;
	s8 =	sadd.s32 $0x19000, s8;
	s9 =	smax.u32 s9, $0x1  }
.LBB2_1:
0xc: {  	[tilespmem:s2], [sflag:$0x1] =	stream.linear.gather [hbm4b:s3+s2], $0x2000, $0x38;
	[tilespmem:$0x6000] =	vst v63  }
0xd: {  	_ =	swait.ge [sflag:s10], $0x2000  }
0xe: {  	[sflag:s10] =	ssyncset.done $0x0  }
0xf: {  	[sflag:s10] =	ssyncadd.s32 $0xFFFFE000  }
0x10: {  	[tilespmem:s11], [sflag:$0x1] =	stream.linear.gather [hbm4b:s4+s2], $0x2000, $0x38;
	[tilespmem:$0x6000] =	vst v63  }
0x11: {  	_ =	swait.ge [sflag:s10], $0x2000  }
0x12: {  	[sflag:s10] =	ssyncset.done $0x0  }
0x13: {  	s17 =	simm.s32 $0x40;
	[sflag:s10] =	ssyncadd.s32 $0xFFFFE000  }
0x14: {  	s14 =	simm.s32 $0x2040;
	v1 =	vld [tilespmem:s17+$0x30]  }
0x15: {  	v2 =	vld [tilespmem:s14+$0x30]  }
0x16: {  	v0 =	vld [tilespmem:s14+$0xFFFFFFC0]  }
0x17: {  	v3 =	vld [tilespmem:s17+$0xFFFFFFD0]  }
0x18: {  	v4 =	vld [tilespmem:s14+$0xFFFFFFD0]  }
0x19: {  	v5 =	vld [tilespmem:s17+$0xFFFFFFE0]  }
0x1a: {  	v6 =	vld [tilespmem:s14+$0xFFFFFFE0]  }
0x1b: {  	v7 =	vld [tilespmem:s17+$0xFFFFFFF0]  }
0x1c: {  	v8 =	vld [tilespmem:s14+$0xFFFFFFF0]  }
0x1d: {  	v9 =	vld [tilespmem:s17+$0x0]  }
0x1e: {  	v10 =	vld [tilespmem:s14+$0x0];
	v2 =	vmul.f32 v2, v1  }
0x1f: {  	s15 =	simm.s32 $0x4040;
	v4 =	vmul.f32 v4, v3;
	v1 =	vld [tilespmem:s17+$0x10]  }
0x20: {  	v5 =	vmul.f32 v6, v5;
	v3 =	vld [tilespmem:s14+$0x10];
	[tilespmem:s15+$0x30] =	vst v2  }
0x21: {  	v6 =	vmul.f32 v8, v7;
	[tilespmem:s15+$0xFFFFFFD0] =	vst v4;
	v2 =	vld [tilespmem:s17+$0x20]  }
0x22: {  	[tilespmem:s15+$0xFFFFFFE0] =	vst v5;
	v5 =	vld [tilespmem:s14+$0x20]  }
0x23: {  	s16 =	simm.s32 $0x0;
	v4 =	vld [tilespmem:s17+$0xFFFFFFC0];
	[tilespmem:s15+$0xFFFFFFF0] =	vst v6;
	v6 =	vmul.f32 v10, v9;
	s17 =	simm.s32 $0xC0  }
.LBB2_2:
0x24: {  	v7 =	vld [tilespmem:s17+$0x30];
	s14 =	sadd.s32 $0x80, s14  }
0x25: {  	s16 =	sadd.s32 $0x80, s16;
	v8 =	vld [tilespmem:s14+$0x30];
	[tilespmem:s15+$0x0] =	vst v6;
	v1 =	vmul.f32 v3, v1  }
0x26: {  	p0 =	slt.u32 s16, $0x1F80;
	v3 =	vld [tilespmem:s14+$0xFFFFFFC0]  }
0x27: {  	v6 =	vld [tilespmem:s17+$0xFFFFFFD0];
	[tilespmem:s15+$0x10] =	vst v1;
	v1 =	vmul.f32 v5, v2  }
0x28: {  	v2 =	vld [tilespmem:s14+$0xFFFFFFD0];
	v9 =	vmul.f32 v0, v4  }
0x29: {  	v4 =	vld [tilespmem:s17+$0xFFFFFFE0];
	[tilespmem:s15+$0x20] =	vst v1  }
0x2a: {  	v1 =	vld [tilespmem:s14+$0xFFFFFFE0];
	v5 =	vmul.f32 v8, v7;
	[tilespmem:s15+$0xFFFFFFC0] =	vst v9  }
0x2b: {  	s15 =	sadd.s32 $0x80, s15;
	v7 =	vld [tilespmem:s17+$0xFFFFFFF0];
	v0 =	vmov v3  }
0x2c: {  	v8 =	vld [tilespmem:s14+$0xFFFFFFF0];
	[tilespmem:s15+$0x30] =	vst v5  }
0x2d: {  	v2 =	vmul.f32 v2, v6;
	v6 =	vld [tilespmem:s17+$0x0]  }
0x2e: {  	v9 =	vld [tilespmem:s14+$0x0]  }
.Ltmp0:
0x2f: {  	[tilespmem:s15+$0xFFFFFFD0] =	vst v2;
	v2 =	vmul.f32 v1, v4;
	v1 =	vld [tilespmem:s17+$0x10];
	(pc) =	sbr.rel @p0 .LBB2_2-.Ltmp0, $4  }
0x30: {  	v3 =	vld [tilespmem:s14+$0x10]  }
0x31: {  	[tilespmem:s15+$0xFFFFFFE0] =	vst v2;
	v7 =	vmul.f32 v8, v7;
	v2 =	vld [tilespmem:s17+$0x20]  }
0x32: {  	v5 =	vld [tilespmem:s14+$0x20]  }
0x33: {  	v4 =	vld [tilespmem:s17+$0xFFFFFFC0];
	[tilespmem:s15+$0xFFFFFFF0] =	vst v7;
	v6 =	vmul.f32 v9, v6;
	s17 =	sadd.s32 $0x80, s17  }
0x34: {  	_ =	sdelay $0x1  }
0x35: {  	v1 =	vmul.f32 v3, v1  }
0x36: {  	[tilespmem:s15+$0x0] =	vst v6;
	v2 =	vmul.f32 v5, v2  }
0x37: {  	[tilespmem:s15+$0x10] =	vst v1;
	v0 =	vmul.f32 v0, v4  }
0x38: {  	[tilespmem:s15+$0x20] =	vst v2  }
0x39: {  	[tilespmem:s15+$0xFFFFFFC0] =	vst v0  }
0x3a: {  	[hbm4b:s5+s2] =	stream.linear.scatter [tilespmem:s12], [sflag:$0x1], $0x2000, $0x38;
	[tilespmem:$0x6000] =	vst v63  }
0x3b: {  	_ =	swait.ge [sflag:s10], $0x2000  }
0x3c: {  	[sflag:s10] =	ssyncset.done $0x0  }
0x3d: {  	[sflag:s10] =	ssyncadd.s32 $0xFFFFE000  }
0x3e: {  	[tilespmem:s2], [sflag:$0x1] =	stream.linear.gather [hbm4b:s6+s2], $0x2000, $0x38;
	[tilespmem:$0x6000] =	vst v63  }
0x3f: {  	_ =	swait.ge [sflag:s10], $0x2000  }
0x40: {  	[sflag:s10] =	ssyncset.done $0x0  }
0x41: {  	[sflag:s10] =	ssyncadd.s32 $0xFFFFE000  }
0x42: {  	[tilespmem:s11], [sflag:$0x1] =	stream.linear.gather [hbm4b:s7+s2], $0x2000, $0x38;
	[tilespmem:$0x6000] =	vst v63  }
0x43: {  	_ =	swait.ge [sflag:s10], $0x2000  }
0x44: {  	[sflag:s10] =	ssyncset.done $0x0  }
0x45: {  	s17 =	simm.s32 $0x40;
	[sflag:s10] =	ssyncadd.s32 $0xFFFFE000  }
0x46: {  	s14 =	simm.s32 $0x2040;
	v1 =	vld [tilespmem:s17+$0x30]  }
0x47: {  	v2 =	vld [tilespmem:s14+$0x30]  }
0x48: {  	v0 =	vld [tilespmem:s14+$0xFFFFFFC0]  }
0x49: {  	v3 =	vld [tilespmem:s17+$0xFFFFFFD0]  }
0x4a: {  	v4 =	vld [tilespmem:s14+$0xFFFFFFD0]  }
0x4b: {  	v5 =	vld [tilespmem:s17+$0xFFFFFFE0]  }
0x4c: {  	v6 =	vld [tilespmem:s14+$0xFFFFFFE0]  }
0x4d: {  	v7 =	vld [tilespmem:s17+$0xFFFFFFF0]  }
0x4e: {  	v8 =	vld [tilespmem:s14+$0xFFFFFFF0]  }
0x4f: {  	v9 =	vld [tilespmem:s17+$0x0]  }
0x50: {  	v10 =	vld [tilespmem:s14+$0x0];
	v2 =	vmul.f32 v2, v1  }
0x51: {  	s15 =	simm.s32 $0x4040;
	v4 =	vmul.f32 v4, v3;
	v1 =	vld [tilespmem:s17+$0x10]  }
0x52: {  	v5 =	vmul.f32 v6, v5;
	v3 =	vld [tilespmem:s14+$0x10];
	[tilespmem:s15+$0x30] =	vst v2  }
0x53: {  	v6 =	vmul.f32 v8, v7;
	[tilespmem:s15+$0xFFFFFFD0] =	vst v4;
	v2 =	vld [tilespmem:s17+$0x20]  }
0x54: {  	[tilespmem:s15+$0xFFFFFFE0] =	vst v5;
	v5 =	vld [tilespmem:s14+$0x20]  }
0x55: {  	s16 =	simm.s32 $0x0;
	v4 =	vld [tilespmem:s17+$0xFFFFFFC0];
	[tilespmem:s15+$0xFFFFFFF0] =	vst v6;
	v6 =	vmul.f32 v10, v9;
	s17 =	simm.s32 $0xC0  }
.LBB2_4:
0x56: {  	v7 =	vld [tilespmem:s17+$0x30];
	s14 =	sadd.s32 $0x80, s14  }
0x57: {  	s16 =	sadd.s32 $0x80, s16;
	v8 =	vld [tilespmem:s14+$0x30];
	[tilespmem:s15+$0x0] =	vst v6;
	v1 =	vmul.f32 v3, v1  }
0x58: {  	p0 =	slt.u32 s16, $0x1F80;
	v3 =	vld [tilespmem:s14+$0xFFFFFFC0]  }
0x59: {  	v6 =	vld [tilespmem:s17+$0xFFFFFFD0];
	[tilespmem:s15+$0x10] =	vst v1;
	v1 =	vmul.f32 v5, v2  }
0x5a: {  	v2 =	vld [tilespmem:s14+$0xFFFFFFD0];
	v9 =	vmul.f32 v0, v4  }
0x5b: {  	v4 =	vld [tilespmem:s17+$0xFFFFFFE0];
	[tilespmem:s15+$0x20] =	vst v1  }
0x5c: {  	v1 =	vld [tilespmem:s14+$0xFFFFFFE0];
	v5 =	vmul.f32 v8, v7;
	[tilespmem:s15+$0xFFFFFFC0] =	vst v9  }
0x5d: {  	s15 =	sadd.s32 $0x80, s15;
	v7 =	vld [tilespmem:s17+$0xFFFFFFF0];
	v0 =	vmov v3  }
0x5e: {  	v8 =	vld [tilespmem:s14+$0xFFFFFFF0];
	[tilespmem:s15+$0x30] =	vst v5  }
0x5f: {  	v2 =	vmul.f32 v2, v6;
	v6 =	vld [tilespmem:s17+$0x0]  }
0x60: {  	v9 =	vld [tilespmem:s14+$0x0]  }
.Ltmp1:
0x61: {  	[tilespmem:s15+$0xFFFFFFD0] =	vst v2;
	v2 =	vmul.f32 v1, v4;
	v1 =	vld [tilespmem:s17+$0x10];
	(pc) =	sbr.rel @p0 .LBB2_4-.Ltmp1, $4  }
0x62: {  	v3 =	vld [tilespmem:s14+$0x10]  }
0x63: {  	[tilespmem:s15+$0xFFFFFFE0] =	vst v2;
	v7 =	vmul.f32 v8, v7;
	v2 =	vld [tilespmem:s17+$0x20]  }
0x64: {  	v5 =	vld [tilespmem:s14+$0x20]  }
0x65: {  	v4 =	vld [tilespmem:s17+$0xFFFFFFC0];
	[tilespmem:s15+$0xFFFFFFF0] =	vst v7;
	v6 =	vmul.f32 v9, v6;
	s17 =	sadd.s32 $0x80, s17  }
0x66: {  	_ =	sdelay $0x1  }
0x67: {  	v1 =	vmul.f32 v3, v1  }
0x68: {  	[tilespmem:s15+$0x0] =	vst v6;
	v2 =	vmul.f32 v5, v2  }
0x69: {  	s13 =	sadd.s32 $0x1, s13;
	[tilespmem:s15+$0x10] =	vst v1;
	v0 =	vmul.f32 v0, v4  }
0x6a: {  	p0 =	sne.s32 s13, s9;
	[tilespmem:s15+$0x20] =	vst v2  }
.Ltmp2:
0x6b: {  	[tilespmem:s15+$0xFFFFFFC0] =	vst v0;
	(pc) =	sbr.rel @p0 .LBB2_1-.Ltmp2, $4  }
0x6c: {  	[hbm4b:s8+s2] =	stream.linear.scatter [tilespmem:s12], [sflag:$0x1], $0x2000, $0x38;
	[tilespmem:$0x6000] =	vst v63  }
0x6d: {  	_ =	swait.ge [sflag:s10], $0x2000  }
0x6e: {  	[sflag:s10] =	ssyncset.done $0x0  }
0x6f: {  	[sflag:s10] =	ssyncadd.s32 $0xFFFFE000  }
0x70: {  	_ =	sfence.sel $0x180000  }
0x71: {  	[bflag:$0x0] =	sbarrier.arrive $0xFFFF  }
0x72: {  	p0 =	sne.s32 s1, $0x0;
	_ =	strace $0x90000047  }
0x73: {  	s0 =	sadd.s32 @!p0 $0x100000, s0;
	[bflag:$0x2] =	sbarrier.arrive $0xFFFF  }
0x74: {  	[sflag:s0] =	ssyncadd.tile.s32 @!p0 $0x1;
	_ =	shalt  }
.Lfunc_end2:
_tile_overlayer_lowered:
.L_overlay_start_2:
0x75: {  	(tag) =	ssettag $0x2  }
0x76: {  	s0 =	rddreg [dreg:$0x0];
	s2 =	stileid.u32  }
0x77: {  	s1 =	rddreg [dreg:$0x1];
	p0 =	sne.s32 s2, $0x0  }
0x78: {  	s3 =	rddreg [dreg:$0x2];
	[bflag:$0x3] =	sbarrier.arrive $0xFFFF;
	s2 =	simm.s32 @!p0 $0x1C01  }
0x79: {  	[timem:s3], [sflag:s2] =	dma.local @!p0 [hbm:s0], s1  }
0x7a: {  	s0 =	simm.s32 @!p0 $0x1  }
0x7b: {  	_ =	swait.ge @!p0 [sflag:s0], s1  }
0x7c: {  	s1 =	ssub.s32 @!p0 $0x0, s1;
	[sflag:s0] =	ssyncset.done @!p0 $0x0  }
0x7d: {  	[sflag:s0] =	ssyncadd.s32 @!p0 s1  }
0x7e: {  	[bflag:$0x3] =	sbarrier.arrive $0xFFFF  }
0x7f: {  	_ =	shalt  }

</sc_bundles>
